<compile_context>
chip_gen: v7x
topology: tpu7x:2x2x1
jax: 0.10.2.dev20260603
libtpu: 0.0.44.dev20260713+nightly
codegen_flags: <defaults>
</compile_context>

<pallas_src>
import functools

import jax
import jax.numpy as jnp
from jax import lax
from jax.experimental import pallas as pl
from jax.experimental.pallas import tpu as pltpu
from jax.experimental.pallas import tpu_sc as plsc

_NC, _NS = 1, 16
_NW = _NC * _NS


def _sc_agg_body(feat_hbm, rel_hbm, out_hbm, src_v, dst_v, rows_v, acc, sem):
    c = lax.axis_index("c")
    s = lax.axis_index("s")
    wid = s * _NC + c
    e_per_w = src_v.shape[0]
    base = wid * e_per_w

    @pl.when(s == 0)
    def _():
        pltpu.sync_copy(feat_hbm, acc)

    plsc.subcore_barrier()

    pltpu.sync_copy(rel_hbm.at[0, pl.ds(base, e_per_w)], src_v)
    pltpu.sync_copy(rel_hbm.at[1, pl.ds(base, e_per_w)], dst_v)
    pltpu.async_copy(feat_hbm.at[dst_v], rows_v, sem).wait()
    pltpu.sync_copy(rows_v, acc.at[src_v], add=True)

    plsc.subcore_barrier()

    @pl.when(s == 0)
    def _():
        pltpu.sync_copy(acc, out_hbm)


def _sc_aggregate(feature_emb, relation_index):
    nf, d = feature_emb.shape
    ne = relation_index.shape[1]
    e_per_w = ne // _NW
    mesh = plsc.VectorSubcoreMesh(core_axis_name="c", subcore_axis_name="s",
                                  num_cores=_NC, num_subcores=_NS)
    run = functools.partial(
        pl.kernel, _sc_agg_body, mesh=mesh,
        out_type=jax.ShapeDtypeStruct((nf, d), jnp.float32),
        scratch_types=[
            pltpu.VMEM((e_per_w,), jnp.int32),
            pltpu.VMEM((e_per_w,), jnp.int32),
            pltpu.VMEM((e_per_w, d), jnp.float32),
            pltpu.VMEM_SHARED((nf, d), jnp.float32),
            pltpu.SemaphoreType.DMA,
        ],
    )()
    return run(feature_emb, relation_index)


def _node_side_body(node_ref, W1_ref, A_ref, stats_ref):
    d = node_ref.shape[1]
    A = jnp.dot(node_ref[...], W1_ref[:, :d].T, preferred_element_type=jnp.float32)
    mA = jnp.mean(A, axis=0, keepdims=True)
    vA = jnp.mean((A - mA) ** 2, axis=0, keepdims=True)
    A_ref[...] = A
    stats_ref[0:1, :] = mA
    stats_ref[1:2, :] = vA


def _combine_body(A_ref, stats_ref, agg_ref, rel_ref, W1_ref, b1_ref, g1_ref, be1_ref,
                  W2_ref, b2_ref, g2_ref, be2_ref, W3_ref, b3_ref, out_ref):
    nf = agg_ref.shape[0]
    ne = rel_ref.shape[1]
    d = agg_ref.shape[1]

    f_iota = jax.lax.broadcasted_iota(jnp.int32, (nf, ne), 0)
    S = (rel_ref[0:1, :] == f_iota).astype(jnp.float32)
    counts = 1.0 + jnp.sum(S, axis=1, keepdims=True)
    msg = agg_ref[...] / counts

    A = A_ref[...]
    mA = stats_ref[0:1, :]
    vA = stats_ref[1:2, :]
    B = jnp.dot(msg, W1_ref[:, d:].T, preferred_element_type=jnp.float32) + b1_ref[...]
    mB = jnp.mean(B, axis=0, keepdims=True)
    vB = jnp.mean((B - mB) ** 2, axis=0, keepdims=True)
    s1 = g1_ref[...] * jax.lax.rsqrt(vA + vB + 1e-5)
    A1 = A * s1
    B1 = (B - mA - mB) * s1 + be1_ref[...]

    A2 = jnp.dot(A1, W2_ref[...].T, preferred_element_type=jnp.float32)
    B2 = jnp.dot(B1, W2_ref[...].T, preferred_element_type=jnp.float32) + b2_ref[...]
    mA2 = jnp.mean(A2, axis=0, keepdims=True)
    vA2 = jnp.mean((A2 - mA2) ** 2, axis=0, keepdims=True)
    mB2 = jnp.mean(B2, axis=0, keepdims=True)
    vB2 = jnp.mean((B2 - mB2) ** 2, axis=0, keepdims=True)
    s2 = g2_ref[...] * jax.lax.rsqrt(vA2 + vB2 + 1e-5)
    A2p = A2 * s2
    B2p = (B2 - mA2 - mB2) * s2 + be2_ref[...]

    a3 = jnp.sum(A2p * W3_ref[...], axis=1, keepdims=True)
    bf3 = jnp.sum(B2p * W3_ref[...], axis=1, keepdims=True) + b3_ref[...]
    out_ref[...] = a3 + bf3.T


def kernel(node_emb, feature_emb, relation_index, W1, b1, g1, be1, W2, b2, g2, be2, W3, b3):
    bs, d = node_emb.shape
    nf = feature_emb.shape[0]
    agg = _sc_aggregate(feature_emb, relation_index)
    A, stats = pl.pallas_call(
        _node_side_body,
        out_shape=(jax.ShapeDtypeStruct((bs, d // 2), jnp.float32),
                   jax.ShapeDtypeStruct((2, d // 2), jnp.float32)),
    )(node_emb, W1)
    out = pl.pallas_call(
        _combine_body,
        out_shape=jax.ShapeDtypeStruct((bs, nf), jnp.float32),
    )(A, stats, agg, relation_index,
      W1, b1.reshape(1, -1), g1.reshape(1, -1), be1.reshape(1, -1),
      W2, b2.reshape(1, -1), g2.reshape(1, -1), be2.reshape(1, -1),
      W3, b3.reshape(1, 1))
    return out

# --- scband reference (transcript-rebuilt; emitter-appended) ---
"""Pipeline reference for scband-relational-edge-prediction-head-78314433675289 (READ-ONLY COPY).

The authoritative reference and input builder live on the scoring server;
editing this copy changes nothing except your own understanding.
"""

import jax, jax.numpy as jnp
import numpy as np

BS, NF, D = 1024, 26, 128
NE = 256


def _build_neighbors(relation_index, bs, nf):
    src_r = np.asarray(relation_index[0])
    dst_r = np.asarray(relation_index[1])
    per_feat = [dst_r[src_r == f].tolist() for f in range(nf)]
    src = np.repeat(np.arange(bs), nf)
    dst = np.tile(np.arange(nf), bs)
    dst_neigh = []
    agg_by = []
    for i in range(bs * nf):
        rel = per_feat[int(dst[i])]
        dst_neigh.append(int(dst[i]))
        dst_neigh.extend(rel)
        agg_by.extend([i] * (len(rel) + 1))
    return src, dst, np.asarray(dst_neigh, dtype=np.int32), np.asarray(agg_by, dtype=np.int32)


def _linear_init(key, out_f, in_f):
    k1, k2 = jax.random.split(key)
    bound = 1.0 / np.sqrt(in_f)
    W = jax.random.uniform(k1, (out_f, in_f), jnp.float32, -bound, bound)
    b = jax.random.uniform(k2, (out_f,), jnp.float32, -bound, bound)
    return W, b


def setup_inputs(seed: int = 0) -> dict:
    key = jax.random.key(seed)
    ks = jax.random.split(key, 8)
    node_emb = jax.random.normal(ks[0], (BS, D), jnp.float32)
    feature_emb = jax.random.normal(ks[1], (NF, D), jnp.float32)
    relation_index = jax.random.randint(ks[2], (2, NE), 0, NF, dtype=jnp.int32)
    W1, b1 = _linear_init(ks[3], D // 2, 2 * D)
    W2, b2 = _linear_init(ks[4], D // 4, D // 2)
    W3, b3 = _linear_init(ks[5], 1, D // 4)
    g1 = jnp.ones((D // 2,), jnp.float32)
    be1 = jnp.zeros((D // 2,), jnp.float32)
    g2 = jnp.ones((D // 4,), jnp.float32)
    be2 = jnp.zeros((D // 4,), jnp.float32)
    return {"node_emb": node_emb, "feature_emb": feature_emb, "relation_index": relation_index,
            "W1": W1, "b1": b1, "g1": g1, "be1": be1,
            "W2": W2, "b2": b2, "g2": g2, "be2": be2,
            "W3": W3, "b3": b3}


def _batchnorm(x, g, be, eps=1e-5):
    mean = jnp.mean(x, axis=0)
    var = jnp.var(x, axis=0)
    xhat = (x - mean) / jnp.sqrt(var + eps)
    return g * xhat + be


def reference(node_emb, feature_emb, relation_index, W1, b1, g1, be1, W2, b2, g2, be2, W3, b3):
    bs = node_emb.shape[0]
    nf = feature_emb.shape[0]
    src_r = relation_index[0]
    dst_r = relation_index[1]
    data = jnp.concatenate([feature_emb, feature_emb[dst_r]], axis=0)
    seg_ids = jnp.concatenate([jnp.arange(nf, dtype=jnp.int32), src_r], axis=0)
    seg_sum = jax.ops.segment_sum(data, seg_ids, num_segments=nf)
    counts = jax.ops.segment_sum(jnp.ones((seg_ids.shape[0],), jnp.float32), seg_ids, num_segments=nf)
    msg_feat = seg_sum / counts[:, None]
    msg = jnp.tile(msg_feat, (bs, 1))
    h = jnp.concatenate([jnp.repeat(node_emb, nf, axis=0), msg], axis=-1)
    h = h @ W1.T + b1
    h = _batchnorm(h, g1, be1)
    h = h @ W2.T + b2
    h = _batchnorm(h, g2, be2)
    h = h @ W3.T + b3
    return h.reshape(-1, nf)

if __name__ == "__main__":
    import jax
    _d = setup_inputs()
    print(jax.jit(kernel)(*tuple(_d.values())))

</pallas_src>

<mosaic_0001>
#map = affine_map<(d0, d1) -> (0, 0)>
module attributes {stable_mosaic.version = 14 : i64} {
  func.func @_sc_agg_body(%arg0: i32, %arg1: i32, %arg2: memref<26x128xf32, #tpu.memory_space<hbm>>, %arg3: memref<2x256xi32, #tpu.memory_space<hbm>>, %arg4: memref<26x128xf32, #tpu.memory_space<hbm>>, %arg5: memref<16xi32, #tpu.memory_space<vmem>>, %arg6: memref<16xi32, #tpu.memory_space<vmem>>, %arg7: memref<16x128xf32, #tpu.memory_space<vmem>>, %arg8: memref<26x128xf32, #tpu.memory_space<vmem_shared>>, %arg9: memref<!tpu.dma_semaphore, #tpu.memory_space<semaphore_mem>>) attributes {dimension_semantics = [#tpu.dimension_semantics<core_parallel>, #tpu.dimension_semantics<subcore_parallel>], iteration_bounds = array<i64: 1, 16>, scalar_prefetch = 0 : i64, scratch_operands = 5 : i64, tpu.core_type = #tpu.core_type<sc_vector_subcore>, window_params = [{transform_indices = #map}, {transform_indices = #map}, {transform_indices = #map}]} {
    %mul3A = arith.constant 1 : i32
    %mul3A_0 = arith.muli %arg1, %mul3A : i32
    %add3A = arith.addi %mul3A_0, %arg0 : i32
    %mul3A_1 = arith.constant 16 : i32
    %mul3A_2 = arith.muli %add3A, %mul3A_1 : i32
    %eq3A = arith.constant 0 : i32
    %eq3A_3 = arith.cmpi eq, %arg1, %eq3A : i32
    %convert_element_type3A = arith.extui %eq3A_3 : i1 to i32
    %cond3A = arith.constant 0 : i32
    %cond3A_4 = arith.cmpi ne, %convert_element_type3A, %cond3A : i32
    scf.if %cond3A_4 {
      "tpu.region"() ({
        %run_scoped3A_16 = tpu.sem_alloc : memref<!tpu.dma_semaphore, #tpu.memory_space<semaphore_mem>>
        tpu.enqueue_dma source(%arg2 : memref<26x128xf32, #tpu.memory_space<hbm>>) target(%arg8 : memref<26x128xf32, #tpu.memory_space<vmem_shared>>) target_semaphore(%run_scoped3A_16 : memref<!tpu.dma_semaphore, #tpu.memory_space<semaphore_mem>>)
        tpu.wait_dma2 semaphore(%run_scoped3A_16 : memref<!tpu.dma_semaphore, #tpu.memory_space<semaphore_mem>>) src(%arg2 : memref<26x128xf32, #tpu.memory_space<hbm>>) dst(%arg8 : memref<26x128xf32, #tpu.memory_space<vmem_shared>>)
        tpu.yield
      }) : () -> ()
    } else {
    }
    %barrier3A = arith.constant 0 : index
    tpu.barrier barrier_id(%barrier3A)
    %run_scoped3A = arith.constant 0 : i32
    "tpu.region"() ({
      %run_scoped3A_16 = tpu.sem_alloc : memref<!tpu.dma_semaphore, #tpu.memory_space<semaphore_mem>>
      %dma_start3A_17 = tpu.memref_slice %arg3[%run_scoped3A, %mul3A_2] : memref<2x256xi32, #tpu.memory_space<hbm>> -> memref<1x16xi32, #tpu.memory_space<hbm>>
      %dma_start3A_18 = tpu.memref_squeeze %dma_start3A_17 : memref<1x16xi32, #tpu.memory_space<hbm>> -> memref<16xi32, #tpu.memory_space<hbm>>
      %dma_start3A_19 = tpu.memref_slice %arg3[%run_scoped3A, %mul3A_2] : memref<2x256xi32, #tpu.memory_space<hbm>> -> memref<1x16xi32, #tpu.memory_space<hbm>>
      %dma_start3A_20 = tpu.memref_squeeze %dma_start3A_19 : memref<1x16xi32, #tpu.memory_space<hbm>> -> memref<16xi32, #tpu.memory_space<hbm>>
      tpu.enqueue_dma source(%dma_start3A_20 : memref<16xi32, #tpu.memory_space<hbm>>) target(%arg5 : memref<16xi32, #tpu.memory_space<vmem>>) target_semaphore(%run_scoped3A_16 : memref<!tpu.dma_semaphore, #tpu.memory_space<semaphore_mem>>)
      %dma_wait3A_21 = tpu.memref_slice %arg3[%run_scoped3A, %mul3A_2] : memref<2x256xi32, #tpu.memory_space<hbm>> -> memref<1x16xi32, #tpu.memory_space<hbm>>
      %dma_wait3A_22 = tpu.memref_squeeze %dma_wait3A_21 : memref<1x16xi32, #tpu.memory_space<hbm>> -> memref<16xi32, #tpu.memory_space<hbm>>
      %dma_wait3A_23 = tpu.memref_slice %arg3[%run_scoped3A, %mul3A_2] : memref<2x256xi32, #tpu.memory_space<hbm>> -> memref<1x16xi32, #tpu.memory_space<hbm>>
      %dma_wait3A_24 = tpu.memref_squeeze %dma_wait3A_23 : memref<1x16xi32, #tpu.memory_space<hbm>> -> memref<16xi32, #tpu.memory_space<hbm>>
      tpu.wait_dma2 semaphore(%run_scoped3A_16 : memref<!tpu.dma_semaphore, #tpu.memory_space<semaphore_mem>>) src(%dma_wait3A_24 : memref<16xi32, #tpu.memory_space<hbm>>) dst(%arg5 : memref<16xi32, #tpu.memory_space<vmem>>)
      tpu.yield
    }) : () -> ()
    %run_scoped3A_5 = arith.constant 1 : i32
    "tpu.region"() ({
      %run_scoped3A_16 = tpu.sem_alloc : memref<!tpu.dma_semaphore, #tpu.memory_space<semaphore_mem>>
      %dma_start3A_17 = tpu.memref_slice %arg3[%run_scoped3A_5, %mul3A_2] : memref<2x256xi32, #tpu.memory_space<hbm>> -> memref<1x16xi32, #tpu.memory_space<hbm>>
      %dma_start3A_18 = tpu.memref_squeeze %dma_start3A_17 : memref<1x16xi32, #tpu.memory_space<hbm>> -> memref<16xi32, #tpu.memory_space<hbm>>
      %dma_start3A_19 = tpu.memref_slice %arg3[%run_scoped3A_5, %mul3A_2] : memref<2x256xi32, #tpu.memory_space<hbm>> -> memref<1x16xi32, #tpu.memory_space<hbm>>
      %dma_start3A_20 = tpu.memref_squeeze %dma_start3A_19 : memref<1x16xi32, #tpu.memory_space<hbm>> -> memref<16xi32, #tpu.memory_space<hbm>>
      tpu.enqueue_dma source(%dma_start3A_20 : memref<16xi32, #tpu.memory_space<hbm>>) target(%arg6 : memref<16xi32, #tpu.memory_space<vmem>>) target_semaphore(%run_scoped3A_16 : memref<!tpu.dma_semaphore, #tpu.memory_space<semaphore_mem>>)
      %dma_wait3A_21 = tpu.memref_slice %arg3[%run_scoped3A_5, %mul3A_2] : memref<2x256xi32, #tpu.memory_space<hbm>> -> memref<1x16xi32, #tpu.memory_space<hbm>>
      %dma_wait3A_22 = tpu.memref_squeeze %dma_wait3A_21 : memref<1x16xi32, #tpu.memory_space<hbm>> -> memref<16xi32, #tpu.memory_space<hbm>>
      %dma_wait3A_23 = tpu.memref_slice %arg3[%run_scoped3A_5, %mul3A_2] : memref<2x256xi32, #tpu.memory_space<hbm>> -> memref<1x16xi32, #tpu.memory_space<hbm>>
      %dma_wait3A_24 = tpu.memref_squeeze %dma_wait3A_23 : memref<1x16xi32, #tpu.memory_space<hbm>> -> memref<16xi32, #tpu.memory_space<hbm>>
      tpu.wait_dma2 semaphore(%run_scoped3A_16 : memref<!tpu.dma_semaphore, #tpu.memory_space<semaphore_mem>>) src(%dma_wait3A_24 : memref<16xi32, #tpu.memory_space<hbm>>) dst(%arg6 : memref<16xi32, #tpu.memory_space<vmem>>)
      tpu.yield
    }) : () -> ()
    %dma_start3A = arith.constant 0 : i32
    %dma_start3A_6 = arith.constant 0 : i32
    %dma_start3A_7 = tpu.memref_slice %arg2[%dma_start3A, %dma_start3A_6] : memref<26x128xf32, #tpu.memory_space<hbm>> -> memref<26x128xf32, #tpu.memory_space<hbm>>
    tpu.enqueue_indirect_dma source(%dma_start3A_7 : memref<26x128xf32, #tpu.memory_space<hbm>>) target(%arg7 : memref<16x128xf32, #tpu.memory_space<vmem>>) offsets(%arg6 : memref<16xi32, #tpu.memory_space<vmem>>) semaphore(%arg9 : memref<!tpu.dma_semaphore, #tpu.memory_space<semaphore_mem>>)
    %dma_wait3A = arith.constant 0 : i32
    %dma_wait3A_8 = arith.constant 0 : i32
    %dma_wait3A_9 = tpu.memref_slice %arg2[%dma_wait3A, %dma_wait3A_8] : memref<26x128xf32, #tpu.memory_space<hbm>> -> memref<26x128xf32, #tpu.memory_space<hbm>>
    tpu.wait_indirect_dma semaphore(%arg9 : memref<!tpu.dma_semaphore, #tpu.memory_space<semaphore_mem>>) src(%dma_wait3A_9 : memref<26x128xf32, #tpu.memory_space<hbm>>) dst(%arg7 : memref<16x128xf32, #tpu.memory_space<vmem>>)
    "tpu.region"() ({
      %run_scoped3A_16 = tpu.sem_alloc : memref<!tpu.dma_semaphore, #tpu.memory_space<semaphore_mem>>
      %dma_start3A_17 = arith.constant 0 : i32
      %dma_start3A_18 = arith.constant 0 : i32
      %dma_start3A_19 = tpu.memref_slice %arg8[%dma_start3A_17, %dma_start3A_18] : memref<26x128xf32, #tpu.memory_space<vmem_shared>> -> memref<26x128xf32, #tpu.memory_space<vmem_shared>>
      tpu.enqueue_indirect_dma source(%arg7 : memref<16x128xf32, #tpu.memory_space<vmem>>) target(%dma_start3A_19 : memref<26x128xf32, #tpu.memory_space<vmem_shared>>) offsets(%arg5 : memref<16xi32, #tpu.memory_space<vmem>>) semaphore(%run_scoped3A_16 : memref<!tpu.dma_semaphore, #tpu.memory_space<semaphore_mem>>) {add = true}
      %dma_wait3A_20 = arith.constant 0 : i32
      %dma_wait3A_21 = arith.constant 0 : i32
      %dma_wait3A_22 = tpu.memref_slice %arg8[%dma_wait3A_20, %dma_wait3A_21] : memref<26x128xf32, #tpu.memory_space<vmem_shared>> -> memref<26x128xf32, #tpu.memory_space<vmem_shared>>
      tpu.wait_indirect_dma semaphore(%run_scoped3A_16 : memref<!tpu.dma_semaphore, #tpu.memory_space<semaphore_mem>>) src(%arg7 : memref<16x128xf32, #tpu.memory_space<vmem>>) dst(%dma_wait3A_22 : memref<26x128xf32, #tpu.memory_space<vmem_shared>>)
      tpu.yield
    }) : () -> ()
    %barrier3A_10 = arith.constant 0 : index
    tpu.barrier barrier_id(%barrier3A_10)
    %eq3A_11 = arith.constant 0 : i32
    %eq3A_12 = arith.cmpi eq, %arg1, %eq3A_11 : i32
    %convert_element_type3A_13 = arith.extui %eq3A_12 : i1 to i32
    %cond3A_14 = arith.constant 0 : i32
    %cond3A_15 = arith.cmpi ne, %convert_element_type3A_13, %cond3A_14 : i32
    scf.if %cond3A_15 {
      "tpu.region"() ({
        %run_scoped3A_16 = tpu.sem_alloc : memref<!tpu.dma_semaphore, #tpu.memory_space<semaphore_mem>>
        tpu.enqueue_dma source(%arg8 : memref<26x128xf32, #tpu.memory_space<vmem_shared>>) target(%arg4 : memref<26x128xf32, #tpu.memory_space<hbm>>) target_semaphore(%run_scoped3A_16 : memref<!tpu.dma_semaphore, #tpu.memory_space<semaphore_mem>>)
        tpu.wait_dma2 semaphore(%run_scoped3A_16 : memref<!tpu.dma_semaphore, #tpu.memory_space<semaphore_mem>>) src(%arg8 : memref<26x128xf32, #tpu.memory_space<vmem_shared>>) dst(%arg4 : memref<26x128xf32, #tpu.memory_space<hbm>>)
        tpu.yield
      }) : () -> ()
    } else {
    }
    return
  }
}

module attributes {stable_mosaic.version = 14 : i64} {
  func.func @_node_side_body(%arg0: memref<1024x128xf32, #tpu.memory_space<vmem>>, %arg1: memref<64x256xf32, #tpu.memory_space<vmem>>, %arg2: memref<1024x64xf32, #tpu.memory_space<vmem>>, %arg3: memref<2x64xf32, #tpu.memory_space<vmem>>) attributes {dimension_semantics = [], scalar_prefetch = 0 : i64, scratch_operands = 0 : i64, tpu.core_type = #tpu.core_type<tc>} {
    %get3A = arith.constant 0 : index
    %get3A_0 = arith.constant 0 : index
    %get3A_1 = vector.load %arg0[%get3A, %get3A_0] : memref<1024x128xf32, #tpu.memory_space<vmem>>, vector<1024x128xf32>
    %get3A_2 = arith.constant 0 : index
    %get3A_3 = arith.constant 0 : index
    %get3A_4 = vector.load %arg1[%get3A_2, %get3A_3] : memref<64x256xf32, #tpu.memory_space<vmem>>, vector<64x128xf32>
    %transpose3A = tpu.transpose %get3A_4, [1, 0] : vector<64x128xf32> -> vector<128x64xf32>
    %dot_general3A = arith.constant dense<0.000000e+00> : vector<1024x64xf32>
    %dot_general3A_5 = tpu.matmul %get3A_1, %transpose3A, %dot_general3A {dimension_numbers = #tpu.dot_dimension_numbers<[1], [0], [0], [1], [0, 0, 1, 1], [], []>, transpose_lhs_hint = false} : vector<1024x128xf32>, vector<128x64xf32>, vector<1024x64xf32> -> vector<1024x64xf32>
    %reduce_sum3A = arith.constant dense<0.000000e+00> : vector<64xf32>
    %reduce_sum3A_6 = vector.multi_reduction <add>, %dot_general3A_5, %reduce_sum3A [0] : vector<1024x64xf32> to vector<64xf32>
    %broadcast_in_dim3A = vector.shape_cast %reduce_sum3A_6 : vector<64xf32> to vector<1x64xf32>
    %div3A = arith.constant 1.024000e+03 : f32
    %div3A_7 = vector.broadcast %div3A : f32 to vector<1x64xf32>
    %div3A_8 = arith.divf %broadcast_in_dim3A, %div3A_7 : vector<1x64xf32>
    %sub3A = vector.broadcast %div3A_8 : vector<1x64xf32> to vector<1024x64xf32>
    %sub3A_9 = arith.subf %dot_general3A_5, %sub3A : vector<1024x64xf32>
    %integer_pow3A = arith.mulf %sub3A_9, %sub3A_9 : vector<1024x64xf32>
    %reduce_sum3A_10 = arith.constant dense<0.000000e+00> : vector<64xf32>
    %reduce_sum3A_11 = vector.multi_reduction <add>, %integer_pow3A, %reduce_sum3A_10 [0] : vector<1024x64xf32> to vector<64xf32>
    %broadcast_in_dim3A_12 = vector.shape_cast %reduce_sum3A_11 : vector<64xf32> to vector<1x64xf32>
    %div3A_13 = arith.constant 1.024000e+03 : f32
    %div3A_14 = vector.broadcast %div3A_13 : f32 to vector<1x64xf32>
    %div3A_15 = arith.divf %broadcast_in_dim3A_12, %div3A_14 : vector<1x64xf32>
    %swap3A = arith.constant 0 : index
    %swap3A_16 = arith.constant 0 : index
    %swap3A_17 = vector.load %arg2[%swap3A, %swap3A_16] : memref<1024x64xf32, #tpu.memory_space<vmem>>, vector<1024x64xf32>
    tpu.vector_store %arg2[%swap3A, %swap3A_16], %dot_general3A_5 {strides = array<i32>} : memref<1024x64xf32, #tpu.memory_space<vmem>>, vector<1024x64xf32>,
    %swap3A_18 = arith.constant 0 : index
    %swap3A_19 = arith.constant 0 : index
    %swap3A_20 = vector.load %arg3[%swap3A_18, %swap3A_19] : memref<2x64xf32, #tpu.memory_space<vmem>>, vector<1x64xf32>
    tpu.vector_store %arg3[%swap3A_18, %swap3A_19], %div3A_8 {strides = array<i32>} : memref<2x64xf32, #tpu.memory_space<vmem>>, vector<1x64xf32>,
    %swap3A_21 = arith.constant 1 : index
    %swap3A_22 = arith.constant 0 : index
    %swap3A_23 = vector.load %arg3[%swap3A_21, %swap3A_22] : memref<2x64xf32, #tpu.memory_space<vmem>>, vector<1x64xf32>
    tpu.vector_store %arg3[%swap3A_21, %swap3A_22], %div3A_15 {strides = array<i32>} : memref<2x64xf32, #tpu.memory_space<vmem>>, vector<1x64xf32>,
    return
  }
}

module attributes {stable_mosaic.version = 14 : i64} {
  func.func @_combine_body(%arg0: memref<1024x64xf32, #tpu.memory_space<vmem>>, %arg1: memref<2x64xf32, #tpu.memory_space<vmem>>, %arg2: memref<26x128xf32, #tpu.memory_space<vmem>>, %arg3: memref<2x256xi32, #tpu.memory_space<vmem>>, %arg4: memref<64x256xf32, #tpu.memory_space<vmem>>, %arg5: memref<1x64xf32, #tpu.memory_space<vmem>>, %arg6: memref<1x64xf32, #tpu.memory_space<vmem>>, %arg7: memref<1x64xf32, #tpu.memory_space<vmem>>, %arg8: memref<32x64xf32, #tpu.memory_space<vmem>>, %arg9: memref<1x32xf32, #tpu.memory_space<vmem>>, %arg10: memref<1x32xf32, #tpu.memory_space<vmem>>, %arg11: memref<1x32xf32, #tpu.memory_space<vmem>>, %arg12: memref<1x32xf32, #tpu.memory_space<vmem>>, %arg13: memref<1x1xf32, #tpu.memory_space<vmem>>, %arg14: memref<1024x26xf32, #tpu.memory_space<vmem>>) attributes {dimension_semantics = [], scalar_prefetch = 0 : i64, scratch_operands = 0 : i64, tpu.core_type = #tpu.core_type<tc>} {
    %iota3A = tpu.iota {dimensions = array<i32: 0>} : vector<26x256xi32>
    %get3A = arith.constant 0 : index
    %get3A_0 = arith.constant 0 : index
    %get3A_1 = vector.load %arg3[%get3A, %get3A_0] : memref<2x256xi32, #tpu.memory_space<vmem>>, vector<1x256xi32>
    %eq3A = vector.broadcast %get3A_1 : vector<1x256xi32> to vector<26x256xi32>
    %eq3A_2 = arith.cmpi eq, %eq3A, %iota3A : vector<26x256xi32>
    %convert_element_type3A = arith.extui %eq3A_2 : vector<26x256xi1> to vector<26x256xi32>
    %convert_element_type3A_3 = arith.sitofp %convert_element_type3A : vector<26x256xi32> to vector<26x256xf32>
    %reduce_sum3A = arith.constant dense<0.000000e+00> : vector<26xf32>
    %reduce_sum3A_4 = vector.multi_reduction <add>, %convert_element_type3A_3, %reduce_sum3A [1] : vector<26x256xf32> to vector<26xf32>
    %broadcast_in_dim3A = vector.shape_cast %reduce_sum3A_4 : vector<26xf32> to vector<26x1xf32>
    %add3A = arith.constant 1.000000e+00 : f32
    %add3A_5 = vector.broadcast %add3A : f32 to vector<26x1xf32>
    %add3A_6 = arith.addf %add3A_5, %broadcast_in_dim3A : vector<26x1xf32>
    %get3A_7 = arith.constant 0 : index
    %get3A_8 = arith.constant 0 : index
    %get3A_9 = vector.load %arg2[%get3A_7, %get3A_8] : memref<26x128xf32, #tpu.memory_space<vmem>>, vector<26x128xf32>
    %div3A = vector.broadcast %add3A_6 : vector<26x1xf32> to vector<26x128xf32>
    %div3A_10 = arith.divf %get3A_9, %div3A : vector<26x128xf32>
    %get3A_11 = arith.constant 0 : index
    %get3A_12 = arith.constant 0 : index
    %get3A_13 = vector.load %arg0[%get3A_11, %get3A_12] : memref<1024x64xf32, #tpu.memory_space<vmem>>, vector<1024x64xf32>
    %get3A_14 = arith.constant 0 : index
    %get3A_15 = arith.constant 0 : index
    %get3A_16 = vector.load %arg1[%get3A_14, %get3A_15] : memref<2x64xf32, #tpu.memory_space<vmem>>, vector<1x64xf32>
    %get3A_17 = arith.constant 1 : index
    %get3A_18 = arith.constant 0 : index
    %get3A_19 = vector.load %arg1[%get3A_17, %get3A_18] : memref<2x64xf32, #tpu.memory_space<vmem>>, vector<1x64xf32>
    %get3A_20 = arith.constant 0 : index
    %get3A_21 = arith.constant 128 : index
    %get3A_22 = vector.load %arg4[%get3A_20, %get3A_21] : memref<64x256xf32, #tpu.memory_space<vmem>>, vector<64x128xf32>
    %transpose3A = tpu.transpose %get3A_22, [1, 0] : vector<64x128xf32> -> vector<128x64xf32>
    %dot_general3A = arith.constant dense<0.000000e+00> : vector<26x64xf32>
    %dot_general3A_23 = tpu.matmul %div3A_10, %transpose3A, %dot_general3A {dimension_numbers = #tpu.dot_dimension_numbers<[1], [0], [0], [1], [0, 0, 1, 1], [], []>, transpose_lhs_hint = false} : vector<26x128xf32>, vector<128x64xf32>, vector<26x64xf32> -> vector<26x64xf32>
    %get3A_24 = arith.constant 0 : index
    %get3A_25 = arith.constant 0 : index
    %get3A_26 = vector.load %arg5[%get3A_24, %get3A_25] : memref<1x64xf32, #tpu.memory_space<vmem>>, vector<1x64xf32>
    %add3A_27 = vector.broadcast %get3A_26 : vector<1x64xf32> to vector<26x64xf32>
    %add3A_28 = arith.addf %dot_general3A_23, %add3A_27 : vector<26x64xf32>
    %reduce_sum3A_29 = arith.constant dense<0.000000e+00> : vector<64xf32>
    %reduce_sum3A_30 = vector.multi_reduction <add>, %add3A_28, %reduce_sum3A_29 [0] : vector<26x64xf32> to vector<64xf32>
    %broadcast_in_dim3A_31 = vector.shape_cast %reduce_sum3A_30 : vector<64xf32> to vector<1x64xf32>
    %div3A_32 = arith.constant 2.600000e+01 : f32
    %div3A_33 = vector.broadcast %div3A_32 : f32 to vector<1x64xf32>
    %div3A_34 = arith.divf %broadcast_in_dim3A_31, %div3A_33 : vector<1x64xf32>
    %sub3A = vector.broadcast %div3A_34 : vector<1x64xf32> to vector<26x64xf32>
    %sub3A_35 = arith.subf %add3A_28, %sub3A : vector<26x64xf32>
    %integer_pow3A = arith.mulf %sub3A_35, %sub3A_35 : vector<26x64xf32>
    %reduce_sum3A_36 = arith.constant dense<0.000000e+00> : vector<64xf32>
    %reduce_sum3A_37 = vector.multi_reduction <add>, %integer_pow3A, %reduce_sum3A_36 [0] : vector<26x64xf32> to vector<64xf32>
    %broadcast_in_dim3A_38 = vector.shape_cast %reduce_sum3A_37 : vector<64xf32> to vector<1x64xf32>
    %div3A_39 = arith.constant 2.600000e+01 : f32
    %div3A_40 = vector.broadcast %div3A_39 : f32 to vector<1x64xf32>
    %div3A_41 = arith.divf %broadcast_in_dim3A_38, %div3A_40 : vector<1x64xf32>
    %get3A_42 = arith.constant 0 : index
    %get3A_43 = arith.constant 0 : index
    %get3A_44 = vector.load %arg6[%get3A_42, %get3A_43] : memref<1x64xf32, #tpu.memory_space<vmem>>, vector<1x64xf32>
    %add3A_45 = arith.addf %get3A_19, %div3A_41 : vector<1x64xf32>
    %add3A_46 = arith.constant 9.99999974E-6 : f32
    %add3A_47 = vector.broadcast %add3A_46 : f32 to vector<1x64xf32>
    %add3A_48 = arith.addf %add3A_45, %add3A_47 : vector<1x64xf32>
    %rsqrt3A = math.rsqrt %add3A_48 : vector<1x64xf32>
    %mul3A = arith.mulf %get3A_44, %rsqrt3A : vector<1x64xf32>
    %mul3A_49 = vector.broadcast %mul3A : vector<1x64xf32> to vector<1024x64xf32>
    %mul3A_50 = arith.mulf %get3A_13, %mul3A_49 : vector<1024x64xf32>
    %sub3A_51 = vector.broadcast %get3A_16 : vector<1x64xf32> to vector<26x64xf32>
    %sub3A_52 = arith.subf %add3A_28, %sub3A_51 : vector<26x64xf32>
    %sub3A_53 = vector.broadcast %div3A_34 : vector<1x64xf32> to vector<26x64xf32>
    %sub3A_54 = arith.subf %sub3A_52, %sub3A_53 : vector<26x64xf32>
    %mul3A_55 = vector.broadcast %mul3A : vector<1x64xf32> to vector<26x64xf32>
    %mul3A_56 = arith.mulf %sub3A_54, %mul3A_55 : vector<26x64xf32>
    %get3A_57 = arith.constant 0 : index
    %get3A_58 = arith.constant 0 : index
    %get3A_59 = vector.load %arg7[%get3A_57, %get3A_58] : memref<1x64xf32, #tpu.memory_space<vmem>>, vector<1x64xf32>
    %add3A_60 = vector.broadcast %get3A_59 : vector<1x64xf32> to vector<26x64xf32>
    %add3A_61 = arith.addf %mul3A_56, %add3A_60 : vector<26x64xf32>
    %get3A_62 = arith.constant 0 : index
    %get3A_63 = arith.constant 0 : index
    %get3A_64 = vector.load %arg8[%get3A_62, %get3A_63] : memref<32x64xf32, #tpu.memory_space<vmem>>, vector<32x64xf32>
    %transpose3A_65 = tpu.transpose %get3A_64, [1, 0] : vector<32x64xf32> -> vector<64x32xf32>
    %dot_general3A_66 = arith.constant dense<0.000000e+00> : vector<1024x32xf32>
    %dot_general3A_67 = tpu.matmul %mul3A_50, %transpose3A_65, %dot_general3A_66 {dimension_numbers = #tpu.dot_dimension_numbers<[1], [0], [0], [1], [0, 0, 1, 1], [], []>, transpose_lhs_hint = false} : vector<1024x64xf32>, vector<64x32xf32>, vector<1024x32xf32> -> vector<1024x32xf32>
    %get3A_68 = arith.constant 0 : index
    %get3A_69 = arith.constant 0 : index
    %get3A_70 = vector.load %arg8[%get3A_68, %get3A_69] : memref<32x64xf32, #tpu.memory_space<vmem>>, vector<32x64xf32>
    %transpose3A_71 = tpu.transpose %get3A_70, [1, 0] : vector<32x64xf32> -> vector<64x32xf32>
    %dot_general3A_72 = arith.constant dense<0.000000e+00> : vector<26x32xf32>
    %dot_general3A_73 = tpu.matmul %add3A_61, %transpose3A_71, %dot_general3A_72 {dimension_numbers = #tpu.dot_dimension_numbers<[1], [0], [0], [1], [0, 0, 1, 1], [], []>, transpose_lhs_hint = false} : vector<26x64xf32>, vector<64x32xf32>, vector<26x32xf32> -> vector<26x32xf32>
    %get3A_74 = arith.constant 0 : index
    %get3A_75 = arith.constant 0 : index
    %get3A_76 = vector.load %arg9[%get3A_74, %get3A_75] : memref<1x32xf32, #tpu.memory_space<vmem>>, vector<1x32xf32>
    %add3A_77 = vector.broadcast %get3A_76 : vector<1x32xf32> to vector<26x32xf32>
    %add3A_78 = arith.addf %dot_general3A_73, %add3A_77 : vector<26x32xf32>
    %reduce_sum3A_79 = arith.constant dense<0.000000e+00> : vector<32xf32>
    %reduce_sum3A_80 = vector.multi_reduction <add>, %dot_general3A_67, %reduce_sum3A_79 [0] : vector<1024x32xf32> to vector<32xf32>
    %broadcast_in_dim3A_81 = vector.shape_cast %reduce_sum3A_80 : vector<32xf32> to vector<1x32xf32>
    %div3A_82 = arith.constant 1.024000e+03 : f32
    %div3A_83 = vector.broadcast %div3A_82 : f32 to vector<1x32xf32>
    %div3A_84 = arith.divf %broadcast_in_dim3A_81, %div3A_83 : vector<1x32xf32>
    %sub3A_85 = vector.broadcast %div3A_84 : vector<1x32xf32> to vector<1024x32xf32>
    %sub3A_86 = arith.subf %dot_general3A_67, %sub3A_85 : vector<1024x32xf32>
    %integer_pow3A_87 = arith.mulf %sub3A_86, %sub3A_86 : vector<1024x32xf32>
    %reduce_sum3A_88 = arith.constant dense<0.000000e+00> : vector<32xf32>
    %reduce_sum3A_89 = vector.multi_reduction <add>, %integer_pow3A_87, %reduce_sum3A_88 [0] : vector<1024x32xf32> to vector<32xf32>
    %broadcast_in_dim3A_90 = vector.shape_cast %reduce_sum3A_89 : vector<32xf32> to vector<1x32xf32>
    %div3A_91 = arith.constant 1.024000e+03 : f32
    %div3A_92 = vector.broadcast %div3A_91 : f32 to vector<1x32xf32>
    %div3A_93 = arith.divf %broadcast_in_dim3A_90, %div3A_92 : vector<1x32xf32>
    %reduce_sum3A_94 = arith.constant dense<0.000000e+00> : vector<32xf32>
    %reduce_sum3A_95 = vector.multi_reduction <add>, %add3A_78, %reduce_sum3A_94 [0] : vector<26x32xf32> to vector<32xf32>
    %broadcast_in_dim3A_96 = vector.shape_cast %reduce_sum3A_95 : vector<32xf32> to vector<1x32xf32>
    %div3A_97 = arith.constant 2.600000e+01 : f32
    %div3A_98 = vector.broadcast %div3A_97 : f32 to vector<1x32xf32>
    %div3A_99 = arith.divf %broadcast_in_dim3A_96, %div3A_98 : vector<1x32xf32>
    %sub3A_100 = vector.broadcast %div3A_99 : vector<1x32xf32> to vector<26x32xf32>
    %sub3A_101 = arith.subf %add3A_78, %sub3A_100 : vector<26x32xf32>
    %integer_pow3A_102 = arith.mulf %sub3A_101, %sub3A_101 : vector<26x32xf32>
    %reduce_sum3A_103 = arith.constant dense<0.000000e+00> : vector<32xf32>
    %reduce_sum3A_104 = vector.multi_reduction <add>, %integer_pow3A_102, %reduce_sum3A_103 [0] : vector<26x32xf32> to vector<32xf32>
    %broadcast_in_dim3A_105 = vector.shape_cast %reduce_sum3A_104 : vector<32xf32> to vector<1x32xf32>
    %div3A_106 = arith.constant 2.600000e+01 : f32
    %div3A_107 = vector.broadcast %div3A_106 : f32 to vector<1x32xf32>
    %div3A_108 = arith.divf %broadcast_in_dim3A_105, %div3A_107 : vector<1x32xf32>
    %get3A_109 = arith.constant 0 : index
    %get3A_110 = arith.constant 0 : index
    %get3A_111 = vector.load %arg10[%get3A_109, %get3A_110] : memref<1x32xf32, #tpu.memory_space<vmem>>, vector<1x32xf32>
    %add3A_112 = arith.addf %div3A_93, %div3A_108 : vector<1x32xf32>
    %add3A_113 = arith.constant 9.99999974E-6 : f32
    %add3A_114 = vector.broadcast %add3A_113 : f32 to vector<1x32xf32>
    %add3A_115 = arith.addf %add3A_112, %add3A_114 : vector<1x32xf32>
    %rsqrt3A_116 = math.rsqrt %add3A_115 : vector<1x32xf32>
    %mul3A_117 = arith.mulf %get3A_111, %rsqrt3A_116 : vector<1x32xf32>
    %mul3A_118 = vector.broadcast %mul3A_117 : vector<1x32xf32> to vector<1024x32xf32>
    %mul3A_119 = arith.mulf %dot_general3A_67, %mul3A_118 : vector<1024x32xf32>
    %sub3A_120 = vector.broadcast %div3A_84 : vector<1x32xf32> to vector<26x32xf32>
    %sub3A_121 = arith.subf %add3A_78, %sub3A_120 : vector<26x32xf32>
    %sub3A_122 = vector.broadcast %div3A_99 : vector<1x32xf32> to vector<26x32xf32>
    %sub3A_123 = arith.subf %sub3A_121, %sub3A_122 : vector<26x32xf32>
    %mul3A_124 = vector.broadcast %mul3A_117 : vector<1x32xf32> to vector<26x32xf32>
    %mul3A_125 = arith.mulf %sub3A_123, %mul3A_124 : vector<26x32xf32>
    %get3A_126 = arith.constant 0 : index
    %get3A_127 = arith.constant 0 : index
    %get3A_128 = vector.load %arg11[%get3A_126, %get3A_127] : memref<1x32xf32, #tpu.memory_space<vmem>>, vector<1x32xf32>
    %add3A_129 = vector.broadcast %get3A_128 : vector<1x32xf32> to vector<26x32xf32>
    %add3A_130 = arith.addf %mul3A_125, %add3A_129 : vector<26x32xf32>
    %get3A_131 = arith.constant 0 : index
    %get3A_132 = arith.constant 0 : index
    %get3A_133 = vector.load %arg12[%get3A_131, %get3A_132] : memref<1x32xf32, #tpu.memory_space<vmem>>, vector<1x32xf32>
    %mul3A_134 = vector.broadcast %get3A_133 : vector<1x32xf32> to vector<1024x32xf32>
    %mul3A_135 = arith.mulf %mul3A_119, %mul3A_134 : vector<1024x32xf32>
    %reduce_sum3A_136 = arith.constant dense<0.000000e+00> : vector<1024xf32>
    %reduce_sum3A_137 = vector.multi_reduction <add>, %mul3A_135, %reduce_sum3A_136 [1] : vector<1024x32xf32> to vector<1024xf32>
    %broadcast_in_dim3A_138 = vector.shape_cast %reduce_sum3A_137 : vector<1024xf32> to vector<1024x1xf32>
    %get3A_139 = arith.constant 0 : index
    %get3A_140 = arith.constant 0 : index
    %get3A_141 = vector.load %arg12[%get3A_139, %get3A_140] : memref<1x32xf32, #tpu.memory_space<vmem>>, vector<1x32xf32>
    %mul3A_142 = vector.broadcast %get3A_141 : vector<1x32xf32> to vector<26x32xf32>
    %mul3A_143 = arith.mulf %add3A_130, %mul3A_142 : vector<26x32xf32>
    %reduce_sum3A_144 = arith.constant dense<0.000000e+00> : vector<26xf32>
    %reduce_sum3A_145 = vector.multi_reduction <add>, %mul3A_143, %reduce_sum3A_144 [1] : vector<26x32xf32> to vector<26xf32>
    %broadcast_in_dim3A_146 = vector.shape_cast %reduce_sum3A_145 : vector<26xf32> to vector<26x1xf32>
    %get3A_147 = arith.constant 0 : index
    %get3A_148 = arith.constant 0 : index
    %get3A_149 = vector.load %arg13[%get3A_147, %get3A_148] : memref<1x1xf32, #tpu.memory_space<vmem>>, vector<1x1xf32>
    %add3A_150 = vector.broadcast %get3A_149 : vector<1x1xf32> to vector<26x1xf32>
    %add3A_151 = arith.addf %broadcast_in_dim3A_146, %add3A_150 : vector<26x1xf32>
    %transpose3A_152 = tpu.transpose %add3A_151, [1, 0] : vector<26x1xf32> -> vector<1x26xf32>
    %add3A_153 = vector.broadcast %broadcast_in_dim3A_138 : vector<1024x1xf32> to vector<1024x26xf32>
    %add3A_154 = vector.broadcast %transpose3A_152 : vector<1x26xf32> to vector<1024x26xf32>
    %add3A_155 = arith.addf %add3A_153, %add3A_154 : vector<1024x26xf32>
    %swap3A = arith.constant 0 : index
    %swap3A_156 = arith.constant 0 : index
    %swap3A_157 = vector.load %arg14[%swap3A, %swap3A_156] : memref<1024x26xf32, #tpu.memory_space<vmem>>, vector<1024x26xf32>
    tpu.vector_store %arg14[%swap3A, %swap3A_156], %add3A_155 {strides = array<i32>} : memref<1024x26xf32, #tpu.memory_space<vmem>>, vector<1024x26xf32>,
    return
  }
}

</mosaic_0001>

<sc_bundles>
// kernel: kernel.5.cloned.1.call-start
scs
__scs_entry_jumppad:
0x0: {  	(pc) =	sbr.rel $0x88, $3  }
0x1: {  	(tag) =	ssettag $0x0;
	lr =	simm.s32 $0x1  }
0x2: {  	[smem:$0x3F94] =	sst lr;
	_ =	strace $0xD0000000  }
0x3: {  	_ = 	snop  }
0x4: {  	_ = 	snop  }
0x5: {  	_ = 	snop  }
0x6: {  	_ = 	snop  }
0x7: {  	_ = 	snop  }
__scs_overlays_trampoline_lowered:
0x8: {  	[smem:$0x3FA3] =	sst s0  }
0x9: {  	[smem:$0x3FA4] =	sst s1  }
0xa: {  	[smem:$0x3FA5] =	sst s2  }
0xb: {  	[smem:$0x3FA6] =	sst s3  }
0xc: {  	[smem:$0x3FA7] =	sst s4  }
0xd: {  	[smem:$0x3FA8] =	sst s5  }
0xe: {  	[smem:$0x3FA9] =	sst s6  }
0xf: {  	[smem:$0x3FAA] =	sst s7  }
0x10: {  	[smem:$0x3FAB] =	sst s8  }
0x11: {  	[smem:$0x3FAC] =	sst s9;
	s0 =	simm.s32 @!p0 $0x0  }
0x12: {  	s1 =	sld [smem:$0x3F92];
	s0 =	simm.s32 @p0 $0x1  }
0x13: {  	[smem:$0x3FAD] =	sst s0;
	s0 =	simm.s32 @!p1 $0x0  }
0x14: {  	s2 =	sld [smem:$0x3F91];
	s0 =	simm.s32 @p1 $0x1  }
0x15: {  	[smem:$0x3FAE] =	sst s0;
	s0 =	simm.s32 @!p2 $0x0  }
0x16: {  	s3 =	sld [smem:$0x3FDB];
	s0 =	simm.s32 @p2 $0x1  }
0x17: {  	s4 =	simm.s32 $0x1BF5;
	[smem:$0x3FB0] =	sst s0  }
0x18: {  	s0 =	sld [smem:$0x3F93];
	_ =	swait.ge [sflag:s4], $0x0  }
0x19: {  	s7 =	sld [smem:$0x3F94]  }
0x1a: {  	s8 =	sadd.s32 $0xFFFFE003, lr  }
0x1b: {  	s9 =	sadd.s32 $0xFFFFFEF7, lr;
	s5 =	simm.s32 $0xFFFFFFFF;
	p2 =	slt.u32 s8, $0xFFFFF086  }
0x1c: {  	p1 =	slt.u32 s9, $0xF7A;
	s5 =	simm.s32 @!p2 $0x0  }
0x1d: {  	s5 =	simm.s32 @p1 $0x1;
	p0 =	seq.s32 s7, s2  }
0x1e: {  	s7 =	smul.u32 @!p0 $0xF7A, s2;
	p2 =	seq.s32 @!p0 s5, $0x0  }
0x1f: {  	s9 =	smul.u32 $0xF7A, s1;
	s8 =	simm.s32 @!p0 $0x1BF5;
	p2 =	por !p2, p0  }
0x20: {  	[sflag:s8] =	ssyncset.s32 @!p0 $0xFFFFF086;
	s6 =	sadd.s32 @!p0 s3, s7;
	s7 =	simm.s32 @!p0 $0x108  }
0x21: {  	s3 =	sadd.s32 s3, s9;
	s6 =	sadd.s32 @!p0 $0x88, s6;
	s7 =	simm.s32 @p2 $0x1082  }
0x22: {  	[simem:s7], [sflag:s8] =	dma.local @!p0 [hbm:s6], $0xF7A  }
0x23: {  	s9 =	sor.u32 $0xD0000000, s2;
	s6 =	simm.s32 $0x108;
	_ =	swait.ge @!p0 [sflag:s8], $0x0  }
0x24: {  	s3 =	sadd.s32 $0x88, s3;
	s6 =	simm.s32 @!p1 $0x1082;
	[sflag:s4] =	ssyncset.s32 $0xFFFFF086  }
0x25: {  	[simem:s6], [sflag:s4] =	dma.local [hbm:s3], $0xF7A  }
0x26: {  	[smem:$0x3F94] =	sst s1;
	(tag) =	ssettag s2;
	_ =	strace s9  }
0x27: {  	s1 =	sld [smem:$0x3FA4]  }
0x28: {  	s2 =	sld [smem:$0x3FA5]  }
0x29: {  	s4 =	sld [smem:$0x3FA7]  }
0x2a: {  	p0 =	seq.s32 s5, $0x0;
	s5 =	sld [smem:$0x3FA8]  }
0x2b: {  	s6 =	sld [smem:$0x3FA9]  }
0x2c: {  	s7 =	sld [smem:$0x3FAA]  }
0x2d: {  	s3 =	simm.s32 $0x108;
	s8 =	sld [smem:$0x3FAB]  }
0x2e: {  	s3 =	simm.s32 @!p0 $0x1082;
	s9 =	sld [smem:$0x3FAC]  }
0x2f: {  	lr =	sadd.s32 s0, s3;
	s0 =	sld [smem:$0x3FA3]  }
0x30: {  	s3 =	sld [smem:$0x3FA6]  }
0x31: {  	[smem:$0x3FAF] =	sst s10  }
0x32: {  	s10 =	sld [smem:$0x3FAD];
	_ =	sdelay $0x3  }
0x33: {  	p0 =	seq.s32 s10, $0x1;
	s10 =	sld [smem:$0x3FAF];
	_ =	sdelay $0x3  }
0x34: {  	[smem:$0x3FAF] =	sst s10  }
0x35: {  	s10 =	sld [smem:$0x3FAE];
	_ =	sdelay $0x3  }
0x36: {  	p1 =	seq.s32 s10, $0x1;
	s10 =	sld [smem:$0x3FAF];
	_ =	sdelay $0x3  }
0x37: {  	[smem:$0x3FAF] =	sst s10  }
0x38: {  	s10 =	sld [smem:$0x3FB0]  }
0x39: {  	_ = 	snop;
	(pc) =	sbr.ind lr, $3  }
0x3a: {  	_ = 	snop  }
0x3b: {  	_ = 	snop  }
0x3c: {  	p2 =	seq.s32 s10, $0x1;
	s10 =	sld [smem:$0x3FAF]  }
0x3d: {  	_ =	shalt  }
0x3e: {  	_ =	shalt  }
0x3f: {  	_ =	shalt  }
0x40: {  	_ =	shalt  }
0x41: {  	_ =	shalt  }
0x42: {  	_ =	shalt  }
0x43: {  	_ =	shalt  }
0x44: {  	_ =	shalt  }
0x45: {  	_ =	shalt  }
0x46: {  	_ =	shalt  }
0x47: {  	_ =	shalt  }
0x48: {  	_ =	shalt  }
0x49: {  	_ =	shalt  }
0x4a: {  	_ =	shalt  }
0x4b: {  	_ =	shalt  }
0x4c: {  	_ =	shalt  }
0x4d: {  	_ =	shalt  }
0x4e: {  	_ =	shalt  }
0x4f: {  	_ =	shalt  }
0x50: {  	_ =	shalt  }
0x51: {  	_ =	shalt  }
0x52: {  	_ =	shalt  }
0x53: {  	_ =	shalt  }
0x54: {  	_ =	shalt  }
0x55: {  	_ =	shalt  }
0x56: {  	_ =	shalt  }
0x57: {  	_ =	shalt  }
0x58: {  	_ =	shalt  }
0x59: {  	_ =	shalt  }
0x5a: {  	_ =	shalt  }
0x5b: {  	_ =	shalt  }
0x5c: {  	_ =	shalt  }
0x5d: {  	_ =	shalt  }
0x5e: {  	_ =	shalt  }
0x5f: {  	_ =	shalt  }
0x60: {  	_ =	shalt  }
0x61: {  	_ =	shalt  }
0x62: {  	_ =	shalt  }
0x63: {  	_ =	shalt  }
0x64: {  	_ =	shalt  }
0x65: {  	_ =	shalt  }
0x66: {  	_ =	shalt  }
0x67: {  	_ =	shalt  }
0x68: {  	_ =	shalt  }
0x69: {  	_ =	shalt  }
0x6a: {  	_ =	shalt  }
0x6b: {  	_ =	shalt  }
0x6c: {  	_ =	shalt  }
0x6d: {  	_ =	shalt  }
0x6e: {  	_ =	shalt  }
0x6f: {  	_ =	shalt  }
0x70: {  	_ =	shalt  }
0x71: {  	_ =	shalt  }
0x72: {  	_ =	shalt  }
0x73: {  	_ =	shalt  }
0x74: {  	_ =	shalt  }
0x75: {  	_ =	shalt  }
0x76: {  	_ =	shalt  }
0x77: {  	_ =	shalt  }
0x78: {  	_ =	shalt  }
0x79: {  	_ =	shalt  }
0x7a: {  	_ =	shalt  }
0x7b: {  	_ =	shalt  }
0x7c: {  	_ =	shalt  }
0x7d: {  	_ =	shalt  }
0x7e: {  	_ =	shalt  }
0x7f: {  	_ =	shalt  }
0x80: {  	_ =	shalt  }
0x81: {  	_ =	shalt  }
0x82: {  	_ =	shalt  }
0x83: {  	_ =	shalt  }
0x84: {  	_ =	shalt  }
0x85: {  	_ =	shalt  }
0x86: {  	_ =	shalt  }
0x87: {  	_ =	shalt  }
.Lfunc_end0:
.L_simem_size_0:
called_computation_lowered:
.L_overlay_start_0:
0x88: {  	s0 =	sld [smem:$0x3FD9]  }
0x89: {  	s1 =	sld [smem:$0x3FFE];
	_ =	sdelay $0x3  }
0x8a: {  	s0 =	sadd.s32 s1, s0  }
0x8b: {  	[smem:$0x3FBB] =	sst s0  }
0x8c: {  	_ = 	snop  }
0x8d: {  	s0 =	sld [smem:$0x3FC8]  }
0x8e: {  	s17 =	sld [smem:$0x3FC7]  }
0x8f: {  	s2 =	sld [smem:$0x3FD0];
	(tm) =	ssettm $0x1  }
0x90: {  	s3 =	sld [smem:$0x3FFB];
	_ =	sdelay $0x3  }
0x91: {  	_ =	strace s3  }
0x92: {  	s3 =	sld [smem:$0x3FFC];
	_ =	sdelay $0x3  }
0x93: {  	_ =	strace s3  }
0x94: {  	s3 =	sld [smem:$0x3FFD];
	_ =	sdelay $0x3  }
0x95: {  	_ =	strace s3  }
0x96: {  	_ =	strace $0x8FFFFFFF  }
0x97: {  	s18 =	sld [smem:$0x3FDB];
	_ =	sdelay $0x1  }
0x98: {  	s4 =	simm.s32 $_scs_section_size  }
0x99: {  	s5 =	simm.s32 $_size__tile_overlayer_lowered;
	s6 =	simm.s32 $_tile_overlayer_lowered  }
0x9a: {  	s21 =	simm.s32 $0x1BFF;
	s20 =	sshll.u32 s6, $0x1;
	s3 =	sadd.s32 s4, s18  }
0x9b: {  	s7 =	simm.s32 $0x0;
	s19 =	sshll.u32 s5, $0x1;
	s5 =	sadd.s32 s20, s3  }
0x9c: {  	[timem:s7], [sflag:s21] =	dma.local [hbm:s5], s19  }
0x9d: {  	_ =	swait.ge [sflag:s21], s19  }
0x9e: {  	s4 =	ssub.s32 $0x0, s19;
	[sflag:s21] =	ssyncset.done $0x0  }
0x9f: {  	[sflag:s21] =	ssyncadd.s32 s4;
	_ =	sdelay $0x1  }
0xa0: {  	s22 =	simm.s32 $0x1B8B  }
0xa1: {  	_ =	swait.ge [sflag:s22], $0x1  }
0xa2: {  	[sflag:s22] =	ssyncset.done $0x0  }
0xa3: {  	s23 =	simm.s32 $0x1B8E;
	[sflag:s22] =	ssyncadd.s32 $0xFFFFFFFF  }
0xa4: {  	s24 =	simm.s32 $execute0_lowered;
	[smem:$0x3FD2] =	sst s23  }
0xa5: {  	s4 =	sshll.u32 s24, $0x1;
	_ =	strace $0x80000046;
	[dreg:$0x1] =	wrdreg $0xFFFFFFFF  }
0xa6: {  	s25 =	simm.s32 $_size_execute0_lowered;
	s3 =	sadd.s32 s3, s4;
	[dreg:$0x0] =	wrdreg $0x0  }
0xa7: {  	s4 =	sshll.u32 s25, $0x1;
	[dreg:$0x2] =	wrdreg s3  }
0xa8: {  	[dreg:$0x3] =	wrdreg s4  }
0xa9: {  	[dreg:$0x4] =	wrdreg $0xC0  }
0xaa: {  	_ =	task [dreg:s7], $0x5FFFF  }
0xab: {  	[dreg:$0x1] =	wrdreg $0xFFFFFFFF  }
0xac: {  	[dreg:$0x0] =	wrdreg $0x60  }
0xad: {  	[dreg:$0x2] =	wrdreg s0  }
0xae: {  	[dreg:$0x3] =	wrdreg s17  }
0xaf: {  	[dreg:$0x4] =	wrdreg s2  }
0xb0: {  	[dreg:$0x5] =	wrdreg $0x9000  }
0xb1: {  	[dreg:$0x6] =	wrdreg $0x9  }
0xb2: {  	_ =	task.clear_ibuf [dreg:s7], $0x7FFFF;
	_ =	strace $0x90000046  }
0xb3: {  	s26 =	simm.s32 $0x9;
	_ =	strace $0x80000048  }
0xb4: {  	_ =	swait.ge [sflag:s26], $0x1  }
0xb5: {  	[sflag:s26] =	ssyncadd.s32 $0xFFFFFFFF  }
0xb6: {  	_ =	strace $0x90000048  }
0xb7: {  	_ =	sfence  }
0xb8: {  	s28 =	sld [smem:$0x0];
	_ =	sdelay $0x1  }
0xb9: {  	s29 =	srdreg.scid  }
0xba: {  	s30 =	sshll.u32 s29, $0xD;
	s31 =	sshrl.u32 s29, $0x2  }
0xbb: {  	s1 =	sand.u32 $0x1, s29;
	s2 =	sand.u32 $0x4000, s30;
	s0 =	sadd.s32 s31, s28  }
0xbc: {  	s1 =	sor.u32 s2, s1;
	s0 =	sshll.u32 s0, $0x11  }
0xbd: {  	s0 =	sor.u32 s0, s1  }
0xbe: {  	s0 =	sadd.s32 $0x8F2B, s0  }
0xbf: {  	[sflag:s0] =	ssyncadd.remote.s32 $0x1  }
0xc0: {  	_ =	sfence.sel $0xFFFF  }
0xc1: {  	[dreg:$0x0] =	wrdreg $0xFFFFFFFF;
	(pc) =	sbr.abs _section_cstart, $3  }
0xc2: {  	[dreg:$0x1] =	wrdreg $0xFFFFFFFF  }
0xc3: {  	_ =	task.clear_ibuf [dreg:s7], $0x2FFFF;
	_ =	strace $0x9FFFFFFF  }
0xc4: {  	(tm) =	ssettm $0x7FFFFFFF  }
0xc5: {  	_ =	shalt  }
tec
execute0_lowered:
.L_overlay_start_1:
0x0: {  	(tag) =	ssettag $0x1  }
0x1: {  	s0 =	rddreg [dreg:$0x0]  }
0x2: {  	s1 =	rddreg [dreg:$0x1]  }
0x3: {  	s2 =	rddreg [dreg:$0x2]  }
0x4: {  	s3 =	rddreg [dreg:$0x3];
	s5 =	simm.s32 $0x0  }
0x5: {  	s6 =	stileid.u32;
	[smem:$0x7FF] =	sst s5  }
0x6: {  	s4 =	rddreg [dreg:$0x4];
	p0 =	sne.s32 s6, $0x0;
	_ =	strace $0x80000047  }
0x7: {  	s7 =	sshrl.u32 @!p0 s3, $0x3;
	s8 =	simm.s32 @!p0 $0x1C02;
	s9 =	simm.s32 @!p0 $0x2  }
0x8: {  	[spmem:s7], [sflag:s8] =	dma.local @!p0 [hbm:s0], $0x1A0  }
0x9: {  	s10 =	sshll.u32 s6, $0x1;
	s6 =	sshll.u32 s6, $0x2;
	_ =	swait.ge @!p0 [sflag:s9], $0x1A0  }
0xa: {  	s6 =	sand.u32 $0x20, s6;
	s10 =	sand.u32 $0xE, s10;
	[sflag:s9] =	ssyncset.done @!p0 $0x0  }
0xb: {  	s6 =	sor.u32 s10, s6;
	[sflag:s9] =	ssyncadd.s32 @!p0 $0xFFFFFE60  }
0xc: {  	s28 =	simm.s32 $0x2;
	s1 =	sadd.s32 s1, s6;
	[bflag:$0x0] =	sbarrier.arrive $0xFFFF  }
0xd: {  	[tilespmem:s5], [sflag:$0x2] =	stream.linear.gather [hbm4b:s1+s5], $0x10, $0x38;
	[tilespmem:$0x9D0] =	vst v63  }
0xe: {  	_ =	swait.ge [sflag:s28], $0x10  }
0xf: {  	[sflag:s28] =	ssyncset.done $0x0  }
0x10: {  	s29 =	simm.s32 $0x80;
	s1 =	sadd.s32 $0x10, s1;
	[sflag:s28] =	ssyncadd.s32 $0xFFFFFFF0  }
0x11: {  	[tilespmem:s29], [sflag:$0x2] =	stream.linear.gather [hbm4b:s1+s5], $0x10, $0x38;
	[tilespmem:$0x9D0] =	vst v63  }
0x12: {  	_ =	swait.ge [sflag:s28], $0x10  }
0x13: {  	s30 =	simm.s32 $0x10;
	[sflag:s28] =	ssyncset.done $0x0  }
0x14: {  	s11 =	simm.s32 $0x100;
	s31 =	simm.s32 $0x1;
	[sflag:s28] =	ssyncadd.s32 $0xFFFFFFF0  }
0x15: {  	[tilespmem:s11], [sflag:$0x1] =	stream.indirect.gather [hbm4b:s0+s30], $0x80, s29, s30, $0xb8;
	[tilespmem:$0x9D0] =	vst v63  }
0x16: {  	_ =	swait.ge [sflag:s31], $0x800  }
0x17: {  	[sflag:s31] =	ssyncset.done $0x0  }
0x18: {  	[sflag:s31] =	ssyncadd.s32 $0xFFFFF800  }
0x19: {  	[spmem:s3] =	stream.indirect.scatter.add.f32 [tilespmem:s11], [sflag:$0x2], $0x80, s5, s30, $0xb8;
	[tilespmem:$0x9D0] =	vst v63  }
0x1a: {  	_ =	swait.ge [sflag:s28], $0x800  }
0x1b: {  	[sflag:s28] =	ssyncset.done $0x0  }
0x1c: {  	[sflag:s28] =	ssyncadd.s32 $0xFFFFF800  }
0x1d: {  	[bflag:$0x0] =	sbarrier.arrive $0xFFFF  }
0x1e: {  	_ =	sfence.sel @p0 $0x180000  }
0x1f: {  	[bflag:$0x0] =	sbarrier.arrive @p0 $0xFFFF  }
0x20: {  	_ =	strace @p0 $0x90000047  }
0x21: {  	[bflag:$0x2] =	sbarrier.arrive @p0 $0xFFFF  }
0x22: {  	[hbm:s2], [sflag:s8] =	dma.local @!p0 [spmem:s7], $0x1A0  }
0x23: {  	_ =	swait.ge @!p0 [sflag:s9], $0x1A0  }
0x24: {  	[sflag:s9] =	ssyncset.done @!p0 $0x0  }
0x25: {  	[sflag:s9] =	ssyncadd.s32 @!p0 $0xFFFFFE60  }
0x26: {  	_ =	sfence.sel @!p0 $0x180000  }
0x27: {  	[bflag:$0x0] =	sbarrier.arrive @!p0 $0xFFFF  }
0x28: {  	_ =	strace @!p0 $0x90000047  }
0x29: {  	s0 =	sadd.s32 @!p0 $0x100000, s4;
	[bflag:$0x2] =	sbarrier.arrive @!p0 $0xFFFF  }
0x2a: {  	[sflag:s0] =	ssyncadd.tile.s32 @!p0 $0x1;
	_ =	shalt  }
.Lfunc_end2:
_tile_overlayer_lowered:
.L_overlay_start_2:
0x2b: {  	(tag) =	ssettag $0x2  }
0x2c: {  	s0 =	rddreg [dreg:$0x0];
	s2 =	stileid.u32  }
0x2d: {  	s1 =	rddreg [dreg:$0x1];
	p0 =	sne.s32 s2, $0x0  }
0x2e: {  	s3 =	rddreg [dreg:$0x2];
	[bflag:$0x3] =	sbarrier.arrive $0xFFFF;
	s2 =	simm.s32 @!p0 $0x1C02  }
0x2f: {  	[timem:s3], [sflag:s2] =	dma.local @!p0 [hbm:s0], s1  }
0x30: {  	s0 =	simm.s32 @!p0 $0x2  }
0x31: {  	_ =	swait.ge @!p0 [sflag:s0], s1  }
0x32: {  	s1 =	ssub.s32 @!p0 $0x0, s1;
	[sflag:s0] =	ssyncset.done @!p0 $0x0  }
0x33: {  	[sflag:s0] =	ssyncadd.s32 @!p0 s1  }
0x34: {  	[bflag:$0x3] =	sbarrier.arrive $0xFFFF  }
0x35: {  	_ =	shalt  }

</sc_bundles>
